<compile_context>
chip_gen: v7x
topology: tpu7x:2x2x1
jax: 0.10.2.dev20260603
libtpu: 0.0.44.dev20260713+nightly
codegen_flags: <defaults>
</compile_context>

<pallas_src>
import jax
import jax.numpy as jnp
from jax import lax
from jax.experimental import pallas as pl
from jax.experimental.pallas import tpu as pltpu
from jax.experimental.pallas import tpu_sc as plsc

_EMB = 128
_NBRS = 32
_STEPS = 3
_SW = 2 * _EMB
_IDS_PER_ROW = 128
_NROWS = _STEPS * _IDS_PER_ROW


def _sc_gather_body(emb_hbm, nbr128_hbm, ids_hbm, out_hbm,
                    ids_v, rowids_v, idrows_v, embrows_v, selfs_v, sem):
    cid = lax.axis_index("c")
    sid = lax.axis_index("s")

    @pl.when((cid == 0) & (sid < _STEPS))
    def _():
        pltpu.sync_copy(ids_hbm, ids_v)
        ids = ids_v.at[pl.ds(0, 1), pl.ds(0, 16)][...]
        rowids_v.at[pl.ds(0, 1), pl.ds(0, 16)][...] = (
            lax.shift_right_logical(ids, 2))
        pltpu.async_copy(nbr128_hbm.at[rowids_v.at[0]], idrows_v, sem).wait()
        pltpu.async_copy(emb_hbm.at[idrows_v.at[2 * sid]], embrows_v,
                         sem).wait()
        pltpu.sync_copy(embrows_v,
                        out_hbm.at[pl.ds(sid * _IDS_PER_ROW, _IDS_PER_ROW)])

    @pl.when((cid == 0) & (sid == _STEPS))
    def _():
        pltpu.sync_copy(ids_hbm, ids_v)
        pltpu.async_copy(emb_hbm.at[ids_v.at[0]], selfs_v, sem).wait()
        pltpu.sync_copy(selfs_v, out_hbm.at[pl.ds(_NROWS, 16)])


def _sc_gather(node_emb, nbr128, path16):
    mesh = plsc.VectorSubcoreMesh(core_axis_name="c", subcore_axis_name="s")
    kern = pl.kernel(
        _sc_gather_body,
        out_type=jax.ShapeDtypeStruct((_NROWS + 16, _EMB), jnp.float32),
        mesh=mesh,
        scratch_types=[
            pltpu.VMEM((1, 16), jnp.int32),
            pltpu.VMEM((1, 16), jnp.int32),
            pltpu.VMEM((16, _IDS_PER_ROW), jnp.int32),
            pltpu.VMEM((_IDS_PER_ROW, _EMB), jnp.float32),
            pltpu.VMEM((16, _EMB), jnp.float32),
            pltpu.SemaphoreType.DMA,
        ],
    )
    return kern(node_emb, nbr128, path16)


def _dot(a, b):
    return lax.dot_general(a, b, (((1,), (0,)), ((), ())),
                           preferred_element_type=jnp.float32)


def _dense_body(path_ref, gat_ref, wagg_ref, bagg_ref, wx_ref, wh_ref,
                bl_ref, w1_ref, b1_ref, w2_ref, b2_ref, w3_ref, b3_ref,
                out_ref):
    selfs = jnp.concatenate(
        [gat_ref[_NROWS + 2 * s:_NROWS + 2 * s + 1, :]
         for s in range(_STEPS)], axis=0)
    means = []
    for s in range(_STEPS):
        sel = jnp.bitwise_and(path_ref[0, 2 * s], 3)
        off = s * _IDS_PER_ROW + sel * _NBRS
        means.append(jnp.sum(gat_ref[pl.ds(off, _NBRS), :], axis=0,
                             keepdims=True) * (1.0 / _NBRS))
    mean3 = jnp.concatenate(means, axis=0)
    xcat = jnp.concatenate([selfs, mean3], axis=1)
    xa = jnp.maximum(_dot(xcat, wagg_ref[...]) + bagg_ref[...], 0.0)
    zx = _dot(xa, wx_ref[...]) + bl_ref[...]

    h = jnp.zeros((1, _SW), jnp.float32)
    c = jnp.zeros((1, _SW), jnp.float32)
    for s in range(_STEPS):
        z = zx[s:s + 1, :]
        if s > 0:
            z = z + _dot(h, wh_ref[...])
        ig = jax.nn.sigmoid(z[:, 0:_SW])
        fg = jax.nn.sigmoid(z[:, _SW:2 * _SW])
        gg = jnp.tanh(z[:, 2 * _SW:3 * _SW])
        og = jax.nn.sigmoid(z[:, 3 * _SW:4 * _SW])
        c = fg * c + ig * gg
        h = og * jnp.tanh(c)

    x1 = jnp.maximum(_dot(h, w1_ref[...]) + b1_ref[...], 0.0)
    x2 = jnp.maximum(_dot(x1, w2_ref[...]) + b2_ref[...], 0.0)
    logits = _dot(x2, w3_ref[...]) + b3_ref[...]
    m = jnp.max(logits, axis=1, keepdims=True)
    e = jnp.exp(logits - m)
    out_ref[...] = (e / jnp.sum(e, axis=1, keepdims=True))[0]


def _dense_call(path16, gat, W_agg, b_agg, Wx, Wh, b_lstm, W1, b1, W2, b2,
                W3, b3):
    return pl.pallas_call(
        _dense_body,
        out_shape=jax.ShapeDtypeStruct((2,), jnp.float32),
        in_specs=[pl.BlockSpec(memory_space=pltpu.SMEM)] +
                 [pl.BlockSpec(memory_space=pltpu.VMEM)] * 12,
    )(path16, gat, W_agg, b_agg, Wx, Wh, b_lstm, W1, b1, W2, b2, W3, b3)


def kernel(path, node_emb, nbr_table, W_agg, b_agg, Wx, Wh, b_lstm,
           W1, b1, W2, b2, W3, b3):
    path16 = jnp.pad(path.astype(jnp.int32), (0, 10)).reshape(1, 16)
    nbr128 = nbr_table.astype(jnp.int32).reshape(-1, _IDS_PER_ROW)
    gat = _sc_gather(node_emb, nbr128, path16)
    return _dense_call(
        path16, gat, W_agg, b_agg.reshape(1, -1), Wx, Wh,
        b_lstm.reshape(1, -1), W1, b1.reshape(1, -1), W2,
        b2.reshape(1, -1), W3, b3.reshape(1, -1))

# --- scband reference (transcript-rebuilt; emitter-appended) ---
"""Pipeline reference for scband-graph-sagereasoner-70368744178309 (READ-ONLY COPY).

The authoritative reference and input builder live on the scoring server;
editing this copy changes nothing except your own understanding.
"""

import jax, jax.numpy as jnp
import numpy as np

N_NODES = 10000
EMB = 128
NBRS = 32
STEP_W = 2 * EMB  # (width+1)*emb_size with width=1
PATH_LEN = 6


def setup_inputs(seed: int = 0) -> dict:
    key = jax.random.key(seed)
    ks = jax.random.split(key, 16)
    path = jax.random.randint(ks[0], (PATH_LEN,), 0, N_NODES, dtype=jnp.int64 if jax.config.jax_enable_x64 else jnp.int32)
    node_emb = jax.random.normal(ks[1], (N_NODES, EMB), dtype=jnp.float32)
    nbr_table = jax.random.randint(ks[2], (N_NODES, NBRS), 0, N_NODES)
    s = 0.05
    W_agg = jax.random.normal(ks[3], (STEP_W, STEP_W), dtype=jnp.float32) * s
    b_agg = jnp.zeros((STEP_W,), dtype=jnp.float32)
    Wx = jax.random.normal(ks[4], (STEP_W, 4 * STEP_W), dtype=jnp.float32) * s
    Wh = jax.random.normal(ks[5], (STEP_W, 4 * STEP_W), dtype=jnp.float32) * s
    b_lstm = jnp.zeros((4 * STEP_W,), dtype=jnp.float32)
    W1 = jax.random.normal(ks[6], (STEP_W, 400), dtype=jnp.float32) * s
    b1 = jnp.zeros((400,), dtype=jnp.float32)
    W2 = jax.random.normal(ks[7], (400, 400), dtype=jnp.float32) * s
    b2 = jnp.zeros((400,), dtype=jnp.float32)
    W3 = jax.random.normal(ks[8], (400, 2), dtype=jnp.float32) * s
    b3 = jnp.zeros((2,), dtype=jnp.float32)
    return {"path": path, "node_emb": node_emb, "nbr_table": nbr_table,
            "W_agg": W_agg, "b_agg": b_agg, "Wx": Wx, "Wh": Wh, "b_lstm": b_lstm,
            "W1": W1, "b1": b1, "W2": W2, "b2": b2, "W3": W3, "b3": b3}


def reference(path, node_emb, nbr_table, W_agg, b_agg, Wx, Wh, b_lstm, W1, b1, W2, b2, W3, b3):
    # recursive(graph, aggregators, root_id): GraphSAGE-style mean aggregation (width=1):
    # feature = GraphConv(concat(self_emb, mean(neighbor_embs)))
    def aggregate(root_id):
        self_f = node_emb[root_id]                      # gather [EMB]
        nbrs = nbr_table[root_id]                       # gather neighbor ids [NBRS]
        nbr_f = jnp.take(node_emb, nbrs, axis=0)        # gather [NBRS, EMB]
        mean_f = jnp.mean(nbr_f, axis=0)                # [EMB]
        h = jnp.concatenate([self_f, mean_f], axis=0)   # [2*EMB]
        h = jnp.maximum(jnp.dot(h, W_agg) + b_agg, 0.0) # GraphConv dense + relu
        return h[None, :]                               # [1, STEP_W]

    # LSTM over entities at even positions of the path (Keras LSTMCell math)
    h = jnp.zeros((1, STEP_W), dtype=jnp.float32)
    c = jnp.zeros((1, STEP_W), dtype=jnp.float32)
    for i in range(0, PATH_LEN, 2):
        x = aggregate(path[i])
        z = jnp.dot(x, Wx) + jnp.dot(h, Wh) + b_lstm
        zi, zf, zg, zo = jnp.split(z, 4, axis=-1)
        ig = jax.nn.sigmoid(zi)
        fg = jax.nn.sigmoid(zf)
        gg = jnp.tanh(zg)
        og = jax.nn.sigmoid(zo)
        c = fg * c + ig * gg
        h = og * jnp.tanh(c)

    path_feature = h  # state[0]
    x1 = jnp.maximum(jnp.dot(path_feature, W1) + b1, 0.0)
    x2 = jnp.maximum(jnp.dot(x1, W2) + b2, 0.0)
    logits = jnp.dot(x2, W3) + b3
    probs = jax.nn.softmax(logits, axis=-1)
    return probs[0]  # [2]

if __name__ == "__main__":
    import jax
    _d = setup_inputs()
    print(jax.jit(kernel)(*tuple(_d.values())))

</pallas_src>

<mosaic_0001>
#map = affine_map<(d0, d1) -> (0, 0)>
module attributes {stable_mosaic.version = 14 : i64} {
  func.func @_sc_gather_body(%arg0: i32, %arg1: i32, %arg2: memref<10000x128xf32, #tpu.memory_space<hbm>>, %arg3: memref<2500x128xi32, #tpu.memory_space<hbm>>, %arg4: memref<1x16xi32, #tpu.memory_space<hbm>>, %arg5: memref<400x128xf32, #tpu.memory_space<hbm>>, %arg6: memref<1x16xi32, #tpu.memory_space<vmem>>, %arg7: memref<1x16xi32, #tpu.memory_space<vmem>>, %arg8: memref<16x128xi32, #tpu.memory_space<vmem>>, %arg9: memref<128x128xf32, #tpu.memory_space<vmem>>, %arg10: memref<16x128xf32, #tpu.memory_space<vmem>>, %arg11: memref<!tpu.dma_semaphore, #tpu.memory_space<semaphore_mem>>) attributes {dimension_semantics = [#tpu.dimension_semantics<core_parallel>, #tpu.dimension_semantics<subcore_parallel>], iteration_bounds = array<i64: 2, 16>, scalar_prefetch = 0 : i64, scratch_operands = 6 : i64, tpu.core_type = #tpu.core_type<sc_vector_subcore>, window_params = [{transform_indices = #map}, {transform_indices = #map}, {transform_indices = #map}, {transform_indices = #map}]} {
    %eq3A = arith.constant 0 : i32
    %eq3A_0 = arith.cmpi eq, %arg0, %eq3A : i32
    %lt3A = arith.constant 3 : i32
    %lt3A_1 = arith.cmpi slt, %arg1, %lt3A : i32
    %and3A = arith.andi %eq3A_0, %lt3A_1 : i1
    %convert_element_type3A = arith.extui %and3A : i1 to i32
    %cond3A = arith.constant 0 : i32
    %cond3A_2 = arith.cmpi ne, %convert_element_type3A, %cond3A : i32
    scf.if %cond3A_2 {
      "tpu.region"() ({
        %run_scoped3A = tpu.sem_alloc : memref<!tpu.dma_semaphore, #tpu.memory_space<semaphore_mem>>
        tpu.enqueue_dma source(%arg4 : memref<1x16xi32, #tpu.memory_space<hbm>>) target(%arg6 : memref<1x16xi32, #tpu.memory_space<vmem>>) target_semaphore(%run_scoped3A : memref<!tpu.dma_semaphore, #tpu.memory_space<semaphore_mem>>)
        tpu.wait_dma2 semaphore(%run_scoped3A : memref<!tpu.dma_semaphore, #tpu.memory_space<semaphore_mem>>) src(%arg4 : memref<1x16xi32, #tpu.memory_space<hbm>>) dst(%arg6 : memref<1x16xi32, #tpu.memory_space<vmem>>)
        tpu.yield
      }) : () -> ()
      %get3A = arith.constant 0 : index
      %get3A_11 = arith.constant 0 : index
      %get3A_12 = tpu.vector_load %arg6[%get3A, %get3A_11] {strides = array<i32>} : memref<1x16xi32, #tpu.memory_space<vmem>>, vector<1x16xi32>,
      %get3A_13 = vector.shape_cast %get3A_12 : vector<1x16xi32> to vector<1x16xi32>
      %shift_right_logical3A = arith.constant 2 : i32
      %shift_right_logical3A_14 = vector.broadcast %shift_right_logical3A : i32 to vector<1x16xi32>
      %shift_right_logical3A_15 = arith.shrui %get3A_13, %shift_right_logical3A_14 : vector<1x16xi32>
      %swap3A = arith.constant 0 : index
      %swap3A_16 = arith.constant 0 : index
      %swap3A_17 = tpu.vector_load %arg7[%swap3A, %swap3A_16] {strides = array<i32>} : memref<1x16xi32, #tpu.memory_space<vmem>>, vector<1x16xi32>,
      %swap3A_18 = vector.shape_cast %swap3A_17 : vector<1x16xi32> to vector<1x16xi32>
      %swap3A_19 = vector.shape_cast %shift_right_logical3A_15 : vector<1x16xi32> to vector<1x16xi32>
      tpu.vector_store %arg7[%swap3A, %swap3A_16], %swap3A_19 {strides = array<i32>} : memref<1x16xi32, #tpu.memory_space<vmem>>, vector<1x16xi32>,
      %dma_start3A = arith.constant 0 : i32
      %dma_start3A_20 = arith.constant 0 : i32
      %dma_start3A_21 = tpu.memref_slice %arg7[%dma_start3A, %dma_start3A_20] : memref<1x16xi32, #tpu.memory_space<vmem>> -> memref<1x16xi32, #tpu.memory_space<vmem>>
      %dma_start3A_22 = tpu.memref_squeeze %dma_start3A_21 : memref<1x16xi32, #tpu.memory_space<vmem>> -> memref<16xi32, #tpu.memory_space<vmem>>
      %dma_start3A_23 = arith.constant 0 : i32
      %dma_start3A_24 = arith.constant 0 : i32
      %dma_start3A_25 = tpu.memref_slice %arg3[%dma_start3A_23, %dma_start3A_24] : memref<2500x128xi32, #tpu.memory_space<hbm>> -> memref<2500x128xi32, #tpu.memory_space<hbm>>
      tpu.enqueue_indirect_dma source(%dma_start3A_25 : memref<2500x128xi32, #tpu.memory_space<hbm>>) target(%arg8 : memref<16x128xi32, #tpu.memory_space<vmem>>) offsets(%dma_start3A_22 : memref<16xi32, #tpu.memory_space<vmem>>) semaphore(%arg11 : memref<!tpu.dma_semaphore, #tpu.memory_space<semaphore_mem>>)
      %dma_wait3A = arith.constant 0 : i32
      %dma_wait3A_26 = arith.constant 0 : i32
      %dma_wait3A_27 = tpu.memref_slice %arg7[%dma_wait3A, %dma_wait3A_26] : memref<1x16xi32, #tpu.memory_space<vmem>> -> memref<1x16xi32, #tpu.memory_space<vmem>>
      %dma_wait3A_28 = tpu.memref_squeeze %dma_wait3A_27 : memref<1x16xi32, #tpu.memory_space<vmem>> -> memref<16xi32, #tpu.memory_space<vmem>>
      %dma_wait3A_29 = arith.constant 0 : i32
      %dma_wait3A_30 = arith.constant 0 : i32
      %dma_wait3A_31 = tpu.memref_slice %arg3[%dma_wait3A_29, %dma_wait3A_30] : memref<2500x128xi32, #tpu.memory_space<hbm>> -> memref<2500x128xi32, #tpu.memory_space<hbm>>
      tpu.wait_indirect_dma semaphore(%arg11 : memref<!tpu.dma_semaphore, #tpu.memory_space<semaphore_mem>>) src(%dma_wait3A_31 : memref<2500x128xi32, #tpu.memory_space<hbm>>) dst(%arg8 : memref<16x128xi32, #tpu.memory_space<vmem>>)
      %mul3A = arith.constant 2 : i32
      %mul3A_32 = arith.muli %mul3A, %arg1 : i32
      %dma_start3A_33 = arith.constant 0 : i32
      %dma_start3A_34 = tpu.memref_slice %arg8[%mul3A_32, %dma_start3A_33] : memref<16x128xi32, #tpu.memory_space<vmem>> -> memref<1x128xi32, #tpu.memory_space<vmem>>
      %dma_start3A_35 = tpu.memref_squeeze %dma_start3A_34 : memref<1x128xi32, #tpu.memory_space<vmem>> -> memref<128xi32, #tpu.memory_space<vmem>>
      %dma_start3A_36 = arith.constant 0 : i32
      %dma_start3A_37 = arith.constant 0 : i32
      %dma_start3A_38 = tpu.memref_slice %arg2[%dma_start3A_36, %dma_start3A_37] : memref<10000x128xf32, #tpu.memory_space<hbm>> -> memref<10000x128xf32, #tpu.memory_space<hbm>>
      tpu.enqueue_indirect_dma source(%dma_start3A_38 : memref<10000x128xf32, #tpu.memory_space<hbm>>) target(%arg9 : memref<128x128xf32, #tpu.memory_space<vmem>>) offsets(%dma_start3A_35 : memref<128xi32, #tpu.memory_space<vmem>>) semaphore(%arg11 : memref<!tpu.dma_semaphore, #tpu.memory_space<semaphore_mem>>)
      %dma_wait3A_39 = arith.constant 0 : i32
      %dma_wait3A_40 = tpu.memref_slice %arg8[%mul3A_32, %dma_wait3A_39] : memref<16x128xi32, #tpu.memory_space<vmem>> -> memref<1x128xi32, #tpu.memory_space<vmem>>
      %dma_wait3A_41 = tpu.memref_squeeze %dma_wait3A_40 : memref<1x128xi32, #tpu.memory_space<vmem>> -> memref<128xi32, #tpu.memory_space<vmem>>
      %dma_wait3A_42 = arith.constant 0 : i32
      %dma_wait3A_43 = arith.constant 0 : i32
      %dma_wait3A_44 = tpu.memref_slice %arg2[%dma_wait3A_42, %dma_wait3A_43] : memref<10000x128xf32, #tpu.memory_space<hbm>> -> memref<10000x128xf32, #tpu.memory_space<hbm>>
      tpu.wait_indirect_dma semaphore(%arg11 : memref<!tpu.dma_semaphore, #tpu.memory_space<semaphore_mem>>) src(%dma_wait3A_44 : memref<10000x128xf32, #tpu.memory_space<hbm>>) dst(%arg9 : memref<128x128xf32, #tpu.memory_space<vmem>>)
      %mul3A_45 = arith.constant 128 : i32
      %mul3A_46 = arith.muli %arg1, %mul3A_45 : i32
      "tpu.region"() ({
        %run_scoped3A = tpu.sem_alloc : memref<!tpu.dma_semaphore, #tpu.memory_space<semaphore_mem>>
        %dma_start3A_47 = arith.constant 0 : i32
        %dma_start3A_48 = tpu.memref_slice %arg5[%mul3A_46, %dma_start3A_47] : memref<400x128xf32, #tpu.memory_space<hbm>> -> memref<128x128xf32, #tpu.memory_space<hbm>>
        %dma_start3A_49 = arith.constant 0 : i32
        %dma_start3A_50 = tpu.memref_slice %arg5[%mul3A_46, %dma_start3A_49] : memref<400x128xf32, #tpu.memory_space<hbm>> -> memref<128x128xf32, #tpu.memory_space<hbm>>
        tpu.enqueue_dma source(%arg9 : memref<128x128xf32, #tpu.memory_space<vmem>>) target(%dma_start3A_50 : memref<128x128xf32, #tpu.memory_space<hbm>>) target_semaphore(%run_scoped3A : memref<!tpu.dma_semaphore, #tpu.memory_space<semaphore_mem>>)
        %dma_wait3A_51 = arith.constant 0 : i32
        %dma_wait3A_52 = tpu.memref_slice %arg5[%mul3A_46, %dma_wait3A_51] : memref<400x128xf32, #tpu.memory_space<hbm>> -> memref<128x128xf32, #tpu.memory_space<hbm>>
        %dma_wait3A_53 = arith.constant 0 : i32
        %dma_wait3A_54 = tpu.memref_slice %arg5[%mul3A_46, %dma_wait3A_53] : memref<400x128xf32, #tpu.memory_space<hbm>> -> memref<128x128xf32, #tpu.memory_space<hbm>>
        tpu.wait_dma2 semaphore(%run_scoped3A : memref<!tpu.dma_semaphore, #tpu.memory_space<semaphore_mem>>) src(%arg9 : memref<128x128xf32, #tpu.memory_space<vmem>>) dst(%dma_wait3A_54 : memref<128x128xf32, #tpu.memory_space<hbm>>)
        tpu.yield
      }) : () -> ()
    } else {
    }
    %eq3A_3 = arith.constant 0 : i32
    %eq3A_4 = arith.cmpi eq, %arg0, %eq3A_3 : i32
    %eq3A_5 = arith.constant 3 : i32
    %eq3A_6 = arith.cmpi eq, %arg1, %eq3A_5 : i32
    %and3A_7 = arith.andi %eq3A_4, %eq3A_6 : i1
    %convert_element_type3A_8 = arith.extui %and3A_7 : i1 to i32
    %cond3A_9 = arith.constant 0 : i32
    %cond3A_10 = arith.cmpi ne, %convert_element_type3A_8, %cond3A_9 : i32
    scf.if %cond3A_10 {
      "tpu.region"() ({
        %run_scoped3A = tpu.sem_alloc : memref<!tpu.dma_semaphore, #tpu.memory_space<semaphore_mem>>
        tpu.enqueue_dma source(%arg4 : memref<1x16xi32, #tpu.memory_space<hbm>>) target(%arg6 : memref<1x16xi32, #tpu.memory_space<vmem>>) target_semaphore(%run_scoped3A : memref<!tpu.dma_semaphore, #tpu.memory_space<semaphore_mem>>)
        tpu.wait_dma2 semaphore(%run_scoped3A : memref<!tpu.dma_semaphore, #tpu.memory_space<semaphore_mem>>) src(%arg4 : memref<1x16xi32, #tpu.memory_space<hbm>>) dst(%arg6 : memref<1x16xi32, #tpu.memory_space<vmem>>)
        tpu.yield
      }) : () -> ()
      %dma_start3A = arith.constant 0 : i32
      %dma_start3A_11 = arith.constant 0 : i32
      %dma_start3A_12 = tpu.memref_slice %arg6[%dma_start3A, %dma_start3A_11] : memref<1x16xi32, #tpu.memory_space<vmem>> -> memref<1x16xi32, #tpu.memory_space<vmem>>
      %dma_start3A_13 = tpu.memref_squeeze %dma_start3A_12 : memref<1x16xi32, #tpu.memory_space<vmem>> -> memref<16xi32, #tpu.memory_space<vmem>>
      %dma_start3A_14 = arith.constant 0 : i32
      %dma_start3A_15 = arith.constant 0 : i32
      %dma_start3A_16 = tpu.memref_slice %arg2[%dma_start3A_14, %dma_start3A_15] : memref<10000x128xf32, #tpu.memory_space<hbm>> -> memref<10000x128xf32, #tpu.memory_space<hbm>>
      tpu.enqueue_indirect_dma source(%dma_start3A_16 : memref<10000x128xf32, #tpu.memory_space<hbm>>) target(%arg10 : memref<16x128xf32, #tpu.memory_space<vmem>>) offsets(%dma_start3A_13 : memref<16xi32, #tpu.memory_space<vmem>>) semaphore(%arg11 : memref<!tpu.dma_semaphore, #tpu.memory_space<semaphore_mem>>)
      %dma_wait3A = arith.constant 0 : i32
      %dma_wait3A_17 = arith.constant 0 : i32
      %dma_wait3A_18 = tpu.memref_slice %arg6[%dma_wait3A, %dma_wait3A_17] : memref<1x16xi32, #tpu.memory_space<vmem>> -> memref<1x16xi32, #tpu.memory_space<vmem>>
      %dma_wait3A_19 = tpu.memref_squeeze %dma_wait3A_18 : memref<1x16xi32, #tpu.memory_space<vmem>> -> memref<16xi32, #tpu.memory_space<vmem>>
      %dma_wait3A_20 = arith.constant 0 : i32
      %dma_wait3A_21 = arith.constant 0 : i32
      %dma_wait3A_22 = tpu.memref_slice %arg2[%dma_wait3A_20, %dma_wait3A_21] : memref<10000x128xf32, #tpu.memory_space<hbm>> -> memref<10000x128xf32, #tpu.memory_space<hbm>>
      tpu.wait_indirect_dma semaphore(%arg11 : memref<!tpu.dma_semaphore, #tpu.memory_space<semaphore_mem>>) src(%dma_wait3A_22 : memref<10000x128xf32, #tpu.memory_space<hbm>>) dst(%arg10 : memref<16x128xf32, #tpu.memory_space<vmem>>)
      "tpu.region"() ({
        %run_scoped3A = tpu.sem_alloc : memref<!tpu.dma_semaphore, #tpu.memory_space<semaphore_mem>>
        %dma_start3A_23 = arith.constant 384 : i32
        %dma_start3A_24 = arith.constant 0 : i32
        %dma_start3A_25 = tpu.memref_slice %arg5[%dma_start3A_23, %dma_start3A_24] : memref<400x128xf32, #tpu.memory_space<hbm>> -> memref<16x128xf32, #tpu.memory_space<hbm>>
        %dma_start3A_26 = arith.constant 384 : i32
        %dma_start3A_27 = arith.constant 0 : i32
        %dma_start3A_28 = tpu.memref_slice %arg5[%dma_start3A_26, %dma_start3A_27] : memref<400x128xf32, #tpu.memory_space<hbm>> -> memref<16x128xf32, #tpu.memory_space<hbm>>
        tpu.enqueue_dma source(%arg10 : memref<16x128xf32, #tpu.memory_space<vmem>>) target(%dma_start3A_28 : memref<16x128xf32, #tpu.memory_space<hbm>>) target_semaphore(%run_scoped3A : memref<!tpu.dma_semaphore, #tpu.memory_space<semaphore_mem>>)
        %dma_wait3A_29 = arith.constant 384 : i32
        %dma_wait3A_30 = arith.constant 0 : i32
        %dma_wait3A_31 = tpu.memref_slice %arg5[%dma_wait3A_29, %dma_wait3A_30] : memref<400x128xf32, #tpu.memory_space<hbm>> -> memref<16x128xf32, #tpu.memory_space<hbm>>
        %dma_wait3A_32 = arith.constant 384 : i32
        %dma_wait3A_33 = arith.constant 0 : i32
        %dma_wait3A_34 = tpu.memref_slice %arg5[%dma_wait3A_32, %dma_wait3A_33] : memref<400x128xf32, #tpu.memory_space<hbm>> -> memref<16x128xf32, #tpu.memory_space<hbm>>
        tpu.wait_dma2 semaphore(%run_scoped3A : memref<!tpu.dma_semaphore, #tpu.memory_space<semaphore_mem>>) src(%arg10 : memref<16x128xf32, #tpu.memory_space<vmem>>) dst(%dma_wait3A_34 : memref<16x128xf32, #tpu.memory_space<hbm>>)
        tpu.yield
      }) : () -> ()
    } else {
    }
    return
  }
}

module attributes {stable_mosaic.version = 14 : i64} {
  func.func @_dense_body(%arg0: memref<1x16xi32, #tpu.memory_space<smem>>, %arg1: memref<400x128xf32, #tpu.memory_space<vmem>>, %arg2: memref<256x256xf32, #tpu.memory_space<vmem>>, %arg3: memref<1x256xf32, #tpu.memory_space<vmem>>, %arg4: memref<256x1024xf32, #tpu.memory_space<vmem>>, %arg5: memref<256x1024xf32, #tpu.memory_space<vmem>>, %arg6: memref<1x1024xf32, #tpu.memory_space<vmem>>, %arg7: memref<256x400xf32, #tpu.memory_space<vmem>>, %arg8: memref<1x400xf32, #tpu.memory_space<vmem>>, %arg9: memref<400x400xf32, #tpu.memory_space<vmem>>, %arg10: memref<1x400xf32, #tpu.memory_space<vmem>>, %arg11: memref<400x2xf32, #tpu.memory_space<vmem>>, %arg12: memref<1x2xf32, #tpu.memory_space<vmem>>, %arg13: memref<2xf32, #tpu.memory_space<vmem>>) attributes {dimension_semantics = [], scalar_prefetch = 0 : i64, scratch_operands = 0 : i64, tpu.core_type = #tpu.core_type<tc>} {
    %get3A = arith.constant 384 : index
    %get3A_0 = arith.constant 0 : index
    %get3A_1 = vector.load %arg1[%get3A, %get3A_0] : memref<400x128xf32, #tpu.memory_space<vmem>>, vector<1x128xf32>
    %get3A_2 = arith.constant 386 : index
    %get3A_3 = arith.constant 0 : index
    %get3A_4 = vector.load %arg1[%get3A_2, %get3A_3] : memref<400x128xf32, #tpu.memory_space<vmem>>, vector<1x128xf32>
    %get3A_5 = arith.constant 388 : index
    %get3A_6 = arith.constant 0 : index
    %get3A_7 = vector.load %arg1[%get3A_5, %get3A_6] : memref<400x128xf32, #tpu.memory_space<vmem>>, vector<1x128xf32>
    %concatenate3A = tpu.concatenate %get3A_1, %get3A_4, %get3A_7 in 0 : vector<1x128xf32>, vector<1x128xf32>, vector<1x128xf32> -> vector<3x128xf32>
    %get3A_8 = arith.constant 0 : index
    %get3A_9 = arith.constant 0 : index
    %get3A_10 = memref.load %arg0[%get3A_8, %get3A_9] : memref<1x16xi32, #tpu.memory_space<smem>>
    %and3A = arith.constant 3 : i32
    %and3A_11 = arith.andi %get3A_10, %and3A : i32
    %mul3A = arith.constant 32 : i32
    %mul3A_12 = arith.muli %and3A_11, %mul3A : i32
    %add3A = arith.constant 0 : i32
    %add3A_13 = arith.addi %add3A, %mul3A_12 : i32
    %get3A_14 = arith.index_cast %add3A_13 : i32 to index
    %get3A_15 = arith.constant 0 : index
    %get3A_16 = vector.load %arg1[%get3A_14, %get3A_15] : memref<400x128xf32, #tpu.memory_space<vmem>>, vector<32x128xf32>
    %reduce_sum3A = arith.constant dense<0.000000e+00> : vector<128xf32>
    %reduce_sum3A_17 = vector.multi_reduction <add>, %get3A_16, %reduce_sum3A [0] : vector<32x128xf32> to vector<128xf32>
    %broadcast_in_dim3A = vector.shape_cast %reduce_sum3A_17 : vector<128xf32> to vector<1x128xf32>
    %mul3A_18 = arith.constant 3.125000e-02 : f32
    %mul3A_19 = vector.broadcast %mul3A_18 : f32 to vector<1x128xf32>
    %mul3A_20 = arith.mulf %broadcast_in_dim3A, %mul3A_19 : vector<1x128xf32>
    %get3A_21 = arith.constant 0 : index
    %get3A_22 = arith.constant 2 : index
    %get3A_23 = memref.load %arg0[%get3A_21, %get3A_22] : memref<1x16xi32, #tpu.memory_space<smem>>
    %and3A_24 = arith.constant 3 : i32
    %and3A_25 = arith.andi %get3A_23, %and3A_24 : i32
    %mul3A_26 = arith.constant 32 : i32
    %mul3A_27 = arith.muli %and3A_25, %mul3A_26 : i32
    %add3A_28 = arith.constant 128 : i32
    %add3A_29 = arith.addi %add3A_28, %mul3A_27 : i32
    %get3A_30 = arith.index_cast %add3A_29 : i32 to index
    %get3A_31 = arith.constant 0 : index
    %get3A_32 = vector.load %arg1[%get3A_30, %get3A_31] : memref<400x128xf32, #tpu.memory_space<vmem>>, vector<32x128xf32>
    %reduce_sum3A_33 = arith.constant dense<0.000000e+00> : vector<128xf32>
    %reduce_sum3A_34 = vector.multi_reduction <add>, %get3A_32, %reduce_sum3A_33 [0] : vector<32x128xf32> to vector<128xf32>
    %broadcast_in_dim3A_35 = vector.shape_cast %reduce_sum3A_34 : vector<128xf32> to vector<1x128xf32>
    %mul3A_36 = arith.constant 3.125000e-02 : f32
    %mul3A_37 = vector.broadcast %mul3A_36 : f32 to vector<1x128xf32>
    %mul3A_38 = arith.mulf %broadcast_in_dim3A_35, %mul3A_37 : vector<1x128xf32>
    %get3A_39 = arith.constant 0 : index
    %get3A_40 = arith.constant 4 : index
    %get3A_41 = memref.load %arg0[%get3A_39, %get3A_40] : memref<1x16xi32, #tpu.memory_space<smem>>
    %and3A_42 = arith.constant 3 : i32
    %and3A_43 = arith.andi %get3A_41, %and3A_42 : i32
    %mul3A_44 = arith.constant 32 : i32
    %mul3A_45 = arith.muli %and3A_43, %mul3A_44 : i32
    %add3A_46 = arith.constant 256 : i32
    %add3A_47 = arith.addi %add3A_46, %mul3A_45 : i32
    %get3A_48 = arith.index_cast %add3A_47 : i32 to index
    %get3A_49 = arith.constant 0 : index
    %get3A_50 = vector.load %arg1[%get3A_48, %get3A_49] : memref<400x128xf32, #tpu.memory_space<vmem>>, vector<32x128xf32>
    %reduce_sum3A_51 = arith.constant dense<0.000000e+00> : vector<128xf32>
    %reduce_sum3A_52 = vector.multi_reduction <add>, %get3A_50, %reduce_sum3A_51 [0] : vector<32x128xf32> to vector<128xf32>
    %broadcast_in_dim3A_53 = vector.shape_cast %reduce_sum3A_52 : vector<128xf32> to vector<1x128xf32>
    %mul3A_54 = arith.constant 3.125000e-02 : f32
    %mul3A_55 = vector.broadcast %mul3A_54 : f32 to vector<1x128xf32>
    %mul3A_56 = arith.mulf %broadcast_in_dim3A_53, %mul3A_55 : vector<1x128xf32>
    %concatenate3A_57 = tpu.concatenate %mul3A_20, %mul3A_38, %mul3A_56 in 0 : vector<1x128xf32>, vector<1x128xf32>, vector<1x128xf32> -> vector<3x128xf32>
    %concatenate3A_58 = tpu.concatenate %concatenate3A, %concatenate3A_57 in 1 : vector<3x128xf32>, vector<3x128xf32> -> vector<3x256xf32>
    %get3A_59 = arith.constant 0 : index
    %get3A_60 = arith.constant 0 : index
    %get3A_61 = vector.load %arg2[%get3A_59, %get3A_60] : memref<256x256xf32, #tpu.memory_space<vmem>>, vector<256x256xf32>
    %dot_general3A = arith.constant dense<0.000000e+00> : vector<3x256xf32>
    %dot_general3A_62 = tpu.matmul %concatenate3A_58, %get3A_61, %dot_general3A {dimension_numbers = #tpu.dot_dimension_numbers<[1], [0], [0], [1], [0, 0, 1, 1], [], []>, transpose_lhs_hint = false} : vector<3x256xf32>, vector<256x256xf32>, vector<3x256xf32> -> vector<3x256xf32>
    %get3A_63 = arith.constant 0 : index
    %get3A_64 = arith.constant 0 : index
    %get3A_65 = vector.load %arg3[%get3A_63, %get3A_64] : memref<1x256xf32, #tpu.memory_space<vmem>>, vector<1x256xf32>
    %add3A_66 = vector.broadcast %get3A_65 : vector<1x256xf32> to vector<3x256xf32>
    %add3A_67 = arith.addf %dot_general3A_62, %add3A_66 : vector<3x256xf32>
    %max3A = arith.constant 0.000000e+00 : f32
    %max3A_68 = vector.broadcast %max3A : f32 to vector<3x256xf32>
    %max3A_69 = arith.maximumf %add3A_67, %max3A_68 : vector<3x256xf32>
    %get3A_70 = arith.constant 0 : index
    %get3A_71 = arith.constant 0 : index
    %get3A_72 = vector.load %arg4[%get3A_70, %get3A_71] : memref<256x1024xf32, #tpu.memory_space<vmem>>, vector<256x1024xf32>
    %dot_general3A_73 = arith.constant dense<0.000000e+00> : vector<3x1024xf32>
    %dot_general3A_74 = tpu.matmul %max3A_69, %get3A_72, %dot_general3A_73 {dimension_numbers = #tpu.dot_dimension_numbers<[1], [0], [0], [1], [0, 0, 1, 1], [], []>, transpose_lhs_hint = false} : vector<3x256xf32>, vector<256x1024xf32>, vector<3x1024xf32> -> vector<3x1024xf32>
    %get3A_75 = arith.constant 0 : index
    %get3A_76 = arith.constant 0 : index
    %get3A_77 = vector.load %arg6[%get3A_75, %get3A_76] : memref<1x1024xf32, #tpu.memory_space<vmem>>, vector<1x1024xf32>
    %add3A_78 = vector.broadcast %get3A_77 : vector<1x1024xf32> to vector<3x1024xf32>
    %add3A_79 = arith.addf %dot_general3A_74, %add3A_78 : vector<3x1024xf32>
    %broadcast_in_dim3A_80 = arith.constant 0.000000e+00 : f32
    %broadcast_in_dim3A_81 = vector.broadcast %broadcast_in_dim3A_80 : f32 to vector<1x256xf32>
    %slice3A = vector.extract_strided_slice %add3A_79 {offsets = [0, 0], sizes = [1, 1024], strides = [1, 1]} : vector<3x1024xf32> to vector<1x1024xf32>
    %slice3A_82 = vector.extract_strided_slice %slice3A {offsets = [0, 0], sizes = [1, 256], strides = [1, 1]} : vector<1x1024xf32> to vector<1x256xf32>
    %logistic3A = arith.negf %slice3A_82 : vector<1x256xf32>
    %logistic3A_83 = math.exp %logistic3A : vector<1x256xf32>
    %logistic3A_84 = arith.constant 1.000000e+00 : f32
    %logistic3A_85 = vector.broadcast %logistic3A_84 : f32 to vector<1x256xf32>
    %logistic3A_86 = arith.addf %logistic3A_85, %logistic3A_83 : vector<1x256xf32>
    %logistic3A_87 = arith.divf %logistic3A_85, %logistic3A_86 : vector<1x256xf32>
    %slice3A_88 = vector.extract_strided_slice %slice3A {offsets = [0, 256], sizes = [1, 256], strides = [1, 1]} : vector<1x1024xf32> to vector<1x256xf32>
    %logistic3A_89 = arith.negf %slice3A_88 : vector<1x256xf32>
    %logistic3A_90 = math.exp %logistic3A_89 : vector<1x256xf32>
    %logistic3A_91 = arith.constant 1.000000e+00 : f32
    %logistic3A_92 = vector.broadcast %logistic3A_91 : f32 to vector<1x256xf32>
    %logistic3A_93 = arith.addf %logistic3A_92, %logistic3A_90 : vector<1x256xf32>
    %logistic3A_94 = arith.divf %logistic3A_92, %logistic3A_93 : vector<1x256xf32>
    %slice3A_95 = vector.extract_strided_slice %slice3A {offsets = [0, 512], sizes = [1, 256], strides = [1, 1]} : vector<1x1024xf32> to vector<1x256xf32>
    %tanh3A = math.tanh %slice3A_95 : vector<1x256xf32>
    %slice3A_96 = vector.extract_strided_slice %slice3A {offsets = [0, 768], sizes = [1, 256], strides = [1, 1]} : vector<1x1024xf32> to vector<1x256xf32>
    %logistic3A_97 = arith.negf %slice3A_96 : vector<1x256xf32>
    %logistic3A_98 = math.exp %logistic3A_97 : vector<1x256xf32>
    %logistic3A_99 = arith.constant 1.000000e+00 : f32
    %logistic3A_100 = vector.broadcast %logistic3A_99 : f32 to vector<1x256xf32>
    %logistic3A_101 = arith.addf %logistic3A_100, %logistic3A_98 : vector<1x256xf32>
    %logistic3A_102 = arith.divf %logistic3A_100, %logistic3A_101 : vector<1x256xf32>
    %mul3A_103 = arith.mulf %logistic3A_94, %broadcast_in_dim3A_81 : vector<1x256xf32>
    %mul3A_104 = arith.mulf %logistic3A_87, %tanh3A : vector<1x256xf32>
    %add3A_105 = arith.addf %mul3A_103, %mul3A_104 : vector<1x256xf32>
    %tanh3A_106 = math.tanh %add3A_105 : vector<1x256xf32>
    %mul3A_107 = arith.mulf %logistic3A_102, %tanh3A_106 : vector<1x256xf32>
    %slice3A_108 = vector.extract_strided_slice %add3A_79 {offsets = [1, 0], sizes = [1, 1024], strides = [1, 1]} : vector<3x1024xf32> to vector<1x1024xf32>
    %get3A_109 = arith.constant 0 : index
    %get3A_110 = arith.constant 0 : index
    %get3A_111 = vector.load %arg5[%get3A_109, %get3A_110] : memref<256x1024xf32, #tpu.memory_space<vmem>>, vector<256x1024xf32>
    %dot_general3A_112 = arith.constant dense<0.000000e+00> : vector<1x1024xf32>
    %dot_general3A_113 = tpu.matmul %mul3A_107, %get3A_111, %dot_general3A_112 {dimension_numbers = #tpu.dot_dimension_numbers<[1], [0], [0], [1], [0, 0, 1, 1], [], []>, transpose_lhs_hint = false} : vector<1x256xf32>, vector<256x1024xf32>, vector<1x1024xf32> -> vector<1x1024xf32>
    %add3A_114 = arith.addf %slice3A_108, %dot_general3A_113 : vector<1x1024xf32>
    %slice3A_115 = vector.extract_strided_slice %add3A_114 {offsets = [0, 0], sizes = [1, 256], strides = [1, 1]} : vector<1x1024xf32> to vector<1x256xf32>
    %logistic3A_116 = arith.negf %slice3A_115 : vector<1x256xf32>
    %logistic3A_117 = math.exp %logistic3A_116 : vector<1x256xf32>
    %logistic3A_118 = arith.constant 1.000000e+00 : f32
    %logistic3A_119 = vector.broadcast %logistic3A_118 : f32 to vector<1x256xf32>
    %logistic3A_120 = arith.addf %logistic3A_119, %logistic3A_117 : vector<1x256xf32>
    %logistic3A_121 = arith.divf %logistic3A_119, %logistic3A_120 : vector<1x256xf32>
    %slice3A_122 = vector.extract_strided_slice %add3A_114 {offsets = [0, 256], sizes = [1, 256], strides = [1, 1]} : vector<1x1024xf32> to vector<1x256xf32>
    %logistic3A_123 = arith.negf %slice3A_122 : vector<1x256xf32>
    %logistic3A_124 = math.exp %logistic3A_123 : vector<1x256xf32>
    %logistic3A_125 = arith.constant 1.000000e+00 : f32
    %logistic3A_126 = vector.broadcast %logistic3A_125 : f32 to vector<1x256xf32>
    %logistic3A_127 = arith.addf %logistic3A_126, %logistic3A_124 : vector<1x256xf32>
    %logistic3A_128 = arith.divf %logistic3A_126, %logistic3A_127 : vector<1x256xf32>
    %slice3A_129 = vector.extract_strided_slice %add3A_114 {offsets = [0, 512], sizes = [1, 256], strides = [1, 1]} : vector<1x1024xf32> to vector<1x256xf32>
    %tanh3A_130 = math.tanh %slice3A_129 : vector<1x256xf32>
    %slice3A_131 = vector.extract_strided_slice %add3A_114 {offsets = [0, 768], sizes = [1, 256], strides = [1, 1]} : vector<1x1024xf32> to vector<1x256xf32>
    %logistic3A_132 = arith.negf %slice3A_131 : vector<1x256xf32>
    %logistic3A_133 = math.exp %logistic3A_132 : vector<1x256xf32>
    %logistic3A_134 = arith.constant 1.000000e+00 : f32
    %logistic3A_135 = vector.broadcast %logistic3A_134 : f32 to vector<1x256xf32>
    %logistic3A_136 = arith.addf %logistic3A_135, %logistic3A_133 : vector<1x256xf32>
    %logistic3A_137 = arith.divf %logistic3A_135, %logistic3A_136 : vector<1x256xf32>
    %mul3A_138 = arith.mulf %logistic3A_128, %add3A_105 : vector<1x256xf32>
    %mul3A_139 = arith.mulf %logistic3A_121, %tanh3A_130 : vector<1x256xf32>
    %add3A_140 = arith.addf %mul3A_138, %mul3A_139 : vector<1x256xf32>
    %tanh3A_141 = math.tanh %add3A_140 : vector<1x256xf32>
    %mul3A_142 = arith.mulf %logistic3A_137, %tanh3A_141 : vector<1x256xf32>
    %slice3A_143 = vector.extract_strided_slice %add3A_79 {offsets = [2, 0], sizes = [1, 1024], strides = [1, 1]} : vector<3x1024xf32> to vector<1x1024xf32>
    %get3A_144 = arith.constant 0 : index
    %get3A_145 = arith.constant 0 : index
    %get3A_146 = vector.load %arg5[%get3A_144, %get3A_145] : memref<256x1024xf32, #tpu.memory_space<vmem>>, vector<256x1024xf32>
    %dot_general3A_147 = arith.constant dense<0.000000e+00> : vector<1x1024xf32>
    %dot_general3A_148 = tpu.matmul %mul3A_142, %get3A_146, %dot_general3A_147 {dimension_numbers = #tpu.dot_dimension_numbers<[1], [0], [0], [1], [0, 0, 1, 1], [], []>, transpose_lhs_hint = false} : vector<1x256xf32>, vector<256x1024xf32>, vector<1x1024xf32> -> vector<1x1024xf32>
    %add3A_149 = arith.addf %slice3A_143, %dot_general3A_148 : vector<1x1024xf32>
    %slice3A_150 = vector.extract_strided_slice %add3A_149 {offsets = [0, 0], sizes = [1, 256], strides = [1, 1]} : vector<1x1024xf32> to vector<1x256xf32>
    %logistic3A_151 = arith.negf %slice3A_150 : vector<1x256xf32>
    %logistic3A_152 = math.exp %logistic3A_151 : vector<1x256xf32>
    %logistic3A_153 = arith.constant 1.000000e+00 : f32
    %logistic3A_154 = vector.broadcast %logistic3A_153 : f32 to vector<1x256xf32>
    %logistic3A_155 = arith.addf %logistic3A_154, %logistic3A_152 : vector<1x256xf32>
    %logistic3A_156 = arith.divf %logistic3A_154, %logistic3A_155 : vector<1x256xf32>
    %slice3A_157 = vector.extract_strided_slice %add3A_149 {offsets = [0, 256], sizes = [1, 256], strides = [1, 1]} : vector<1x1024xf32> to vector<1x256xf32>
    %logistic3A_158 = arith.negf %slice3A_157 : vector<1x256xf32>
    %logistic3A_159 = math.exp %logistic3A_158 : vector<1x256xf32>
    %logistic3A_160 = arith.constant 1.000000e+00 : f32
    %logistic3A_161 = vector.broadcast %logistic3A_160 : f32 to vector<1x256xf32>
    %logistic3A_162 = arith.addf %logistic3A_161, %logistic3A_159 : vector<1x256xf32>
    %logistic3A_163 = arith.divf %logistic3A_161, %logistic3A_162 : vector<1x256xf32>
    %slice3A_164 = vector.extract_strided_slice %add3A_149 {offsets = [0, 512], sizes = [1, 256], strides = [1, 1]} : vector<1x1024xf32> to vector<1x256xf32>
    %tanh3A_165 = math.tanh %slice3A_164 : vector<1x256xf32>
    %slice3A_166 = vector.extract_strided_slice %add3A_149 {offsets = [0, 768], sizes = [1, 256], strides = [1, 1]} : vector<1x1024xf32> to vector<1x256xf32>
    %logistic3A_167 = arith.negf %slice3A_166 : vector<1x256xf32>
    %logistic3A_168 = math.exp %logistic3A_167 : vector<1x256xf32>
    %logistic3A_169 = arith.constant 1.000000e+00 : f32
    %logistic3A_170 = vector.broadcast %logistic3A_169 : f32 to vector<1x256xf32>
    %logistic3A_171 = arith.addf %logistic3A_170, %logistic3A_168 : vector<1x256xf32>
    %logistic3A_172 = arith.divf %logistic3A_170, %logistic3A_171 : vector<1x256xf32>
    %mul3A_173 = arith.mulf %logistic3A_163, %add3A_140 : vector<1x256xf32>
    %mul3A_174 = arith.mulf %logistic3A_156, %tanh3A_165 : vector<1x256xf32>
    %add3A_175 = arith.addf %mul3A_173, %mul3A_174 : vector<1x256xf32>
    %tanh3A_176 = math.tanh %add3A_175 : vector<1x256xf32>
    %mul3A_177 = arith.mulf %logistic3A_172, %tanh3A_176 : vector<1x256xf32>
    %get3A_178 = arith.constant 0 : index
    %get3A_179 = arith.constant 0 : index
    %get3A_180 = vector.load %arg7[%get3A_178, %get3A_179] : memref<256x400xf32, #tpu.memory_space<vmem>>, vector<256x400xf32>
    %dot_general3A_181 = arith.constant dense<0.000000e+00> : vector<1x400xf32>
    %dot_general3A_182 = tpu.matmul %mul3A_177, %get3A_180, %dot_general3A_181 {dimension_numbers = #tpu.dot_dimension_numbers<[1], [0], [0], [1], [0, 0, 1, 1], [], []>, transpose_lhs_hint = false} : vector<1x256xf32>, vector<256x400xf32>, vector<1x400xf32> -> vector<1x400xf32>
    %get3A_183 = arith.constant 0 : index
    %get3A_184 = arith.constant 0 : index
    %get3A_185 = vector.load %arg8[%get3A_183, %get3A_184] : memref<1x400xf32, #tpu.memory_space<vmem>>, vector<1x400xf32>
    %add3A_186 = arith.addf %dot_general3A_182, %get3A_185 : vector<1x400xf32>
    %max3A_187 = arith.constant 0.000000e+00 : f32
    %max3A_188 = vector.broadcast %max3A_187 : f32 to vector<1x400xf32>
    %max3A_189 = arith.maximumf %add3A_186, %max3A_188 : vector<1x400xf32>
    %get3A_190 = arith.constant 0 : index
    %get3A_191 = arith.constant 0 : index
    %get3A_192 = vector.load %arg9[%get3A_190, %get3A_191] : memref<400x400xf32, #tpu.memory_space<vmem>>, vector<400x400xf32>
    %dot_general3A_193 = arith.constant dense<0.000000e+00> : vector<1x400xf32>
    %dot_general3A_194 = tpu.matmul %max3A_189, %get3A_192, %dot_general3A_193 {dimension_numbers = #tpu.dot_dimension_numbers<[1], [0], [0], [1], [0, 0, 1, 1], [], []>, transpose_lhs_hint = false} : vector<1x400xf32>, vector<400x400xf32>, vector<1x400xf32> -> vector<1x400xf32>
    %get3A_195 = arith.constant 0 : index
    %get3A_196 = arith.constant 0 : index
    %get3A_197 = vector.load %arg10[%get3A_195, %get3A_196] : memref<1x400xf32, #tpu.memory_space<vmem>>, vector<1x400xf32>
    %add3A_198 = arith.addf %dot_general3A_194, %get3A_197 : vector<1x400xf32>
    %max3A_199 = arith.constant 0.000000e+00 : f32
    %max3A_200 = vector.broadcast %max3A_199 : f32 to vector<1x400xf32>
    %max3A_201 = arith.maximumf %add3A_198, %max3A_200 : vector<1x400xf32>
    %get3A_202 = arith.constant 0 : index
    %get3A_203 = arith.constant 0 : index
    %get3A_204 = vector.load %arg11[%get3A_202, %get3A_203] : memref<400x2xf32, #tpu.memory_space<vmem>>, vector<400x2xf32>
    %dot_general3A_205 = arith.constant dense<0.000000e+00> : vector<1x2xf32>
    %dot_general3A_206 = tpu.matmul %max3A_201, %get3A_204, %dot_general3A_205 {dimension_numbers = #tpu.dot_dimension_numbers<[1], [0], [0], [1], [0, 0, 1, 1], [], []>, transpose_lhs_hint = false} : vector<1x400xf32>, vector<400x2xf32>, vector<1x2xf32> -> vector<1x2xf32>
    %get3A_207 = arith.constant 0 : index
    %get3A_208 = arith.constant 0 : index
    %get3A_209 = vector.load %arg12[%get3A_207, %get3A_208] : memref<1x2xf32, #tpu.memory_space<vmem>>, vector<1x2xf32>
    %add3A_210 = arith.addf %dot_general3A_206, %get3A_209 : vector<1x2xf32>
    %reduce_max3A = arith.constant dense<0xFF800000> : vector<1xf32>
    %reduce_max3A_211 = vector.multi_reduction <maximumf>, %add3A_210, %reduce_max3A [1] : vector<1x2xf32> to vector<1xf32>
    %broadcast_in_dim3A_212 = vector.shape_cast %reduce_max3A_211 : vector<1xf32> to vector<1x1xf32>
    %sub3A = vector.broadcast %broadcast_in_dim3A_212 : vector<1x1xf32> to vector<1x2xf32>
    %sub3A_213 = arith.subf %add3A_210, %sub3A : vector<1x2xf32>
    %exp3A = math.exp %sub3A_213 : vector<1x2xf32>
    %reduce_sum3A_214 = arith.constant dense<0.000000e+00> : vector<1xf32>
    %reduce_sum3A_215 = vector.multi_reduction <add>, %exp3A, %reduce_sum3A_214 [1] : vector<1x2xf32> to vector<1xf32>
    %broadcast_in_dim3A_216 = vector.shape_cast %reduce_sum3A_215 : vector<1xf32> to vector<1x1xf32>
    %div3A = vector.broadcast %broadcast_in_dim3A_216 : vector<1x1xf32> to vector<1x2xf32>
    %div3A_217 = arith.divf %exp3A, %div3A : vector<1x2xf32>
    %squeeze3A = vector.shape_cast %div3A_217 : vector<1x2xf32> to vector<2xf32>
    %swap3A = arith.constant 0 : index
    %swap3A_218 = vector.load %arg13[%swap3A] : memref<2xf32, #tpu.memory_space<vmem>>, vector<2xf32>
    tpu.vector_store %arg13[%swap3A], %squeeze3A {strides = array<i32>} : memref<2xf32, #tpu.memory_space<vmem>>, vector<2xf32>,
    return
  }
}

</mosaic_0001>

<sc_bundles>
// kernel: kernel.4.cloned.1.call-start
scs
__scs_entry_jumppad:
0x0: {  	(pc) =	sbr.rel $0x88, $3  }
0x1: {  	(tag) =	ssettag $0x0;
	lr =	simm.s32 $0x1  }
0x2: {  	[smem:$0x3F93] =	sst lr;
	_ =	strace $0xD0000000  }
0x3: {  	_ = 	snop  }
0x4: {  	_ = 	snop  }
0x5: {  	_ = 	snop  }
0x6: {  	_ = 	snop  }
0x7: {  	_ = 	snop  }
__scs_overlays_trampoline_lowered:
0x8: {  	[smem:$0x3FA2] =	sst s0  }
0x9: {  	[smem:$0x3FA3] =	sst s1  }
0xa: {  	[smem:$0x3FA4] =	sst s2  }
0xb: {  	[smem:$0x3FA5] =	sst s3  }
0xc: {  	[smem:$0x3FA6] =	sst s4  }
0xd: {  	[smem:$0x3FA7] =	sst s5  }
0xe: {  	[smem:$0x3FA8] =	sst s6  }
0xf: {  	[smem:$0x3FA9] =	sst s7  }
0x10: {  	[smem:$0x3FAA] =	sst s8  }
0x11: {  	[smem:$0x3FAB] =	sst s9;
	s0 =	simm.s32 @!p0 $0x0  }
0x12: {  	s1 =	sld [smem:$0x3F91];
	s0 =	simm.s32 @p0 $0x1  }
0x13: {  	[smem:$0x3FAC] =	sst s0;
	s0 =	simm.s32 @!p1 $0x0  }
0x14: {  	s2 =	sld [smem:$0x3F90];
	s0 =	simm.s32 @p1 $0x1  }
0x15: {  	[smem:$0x3FAD] =	sst s0;
	s0 =	simm.s32 @!p2 $0x0  }
0x16: {  	s3 =	sld [smem:$0x3FDB];
	s0 =	simm.s32 @p2 $0x1  }
0x17: {  	s4 =	simm.s32 $0x1BF5;
	[smem:$0x3FAF] =	sst s0  }
0x18: {  	s0 =	sld [smem:$0x3F92];
	_ =	swait.ge [sflag:s4], $0x0  }
0x19: {  	s7 =	sld [smem:$0x3F93]  }
0x1a: {  	s8 =	sadd.s32 $0xFFFFE003, lr  }
0x1b: {  	s9 =	sadd.s32 $0xFFFFFEF7, lr;
	s5 =	simm.s32 $0xFFFFFFFF;
	p2 =	slt.u32 s8, $0xFFFFF086  }
0x1c: {  	p1 =	slt.u32 s9, $0xF7A;
	s5 =	simm.s32 @!p2 $0x0  }
0x1d: {  	s5 =	simm.s32 @p1 $0x1;
	p0 =	seq.s32 s7, s2  }
0x1e: {  	s7 =	smul.u32 @!p0 $0xF7A, s2;
	p2 =	seq.s32 @!p0 s5, $0x0  }
0x1f: {  	s9 =	smul.u32 $0xF7A, s1;
	s8 =	simm.s32 @!p0 $0x1BF5;
	p2 =	por !p2, p0  }
0x20: {  	[sflag:s8] =	ssyncset.s32 @!p0 $0xFFFFF086;
	s6 =	sadd.s32 @!p0 s3, s7;
	s7 =	simm.s32 @!p0 $0x108  }
0x21: {  	s3 =	sadd.s32 s3, s9;
	s6 =	sadd.s32 @!p0 $0x88, s6;
	s7 =	simm.s32 @p2 $0x1082  }
0x22: {  	[simem:s7], [sflag:s8] =	dma.local @!p0 [hbm:s6], $0xF7A  }
0x23: {  	s9 =	sor.u32 $0xD0000000, s2;
	s6 =	simm.s32 $0x108;
	_ =	swait.ge @!p0 [sflag:s8], $0x0  }
0x24: {  	s3 =	sadd.s32 $0x88, s3;
	s6 =	simm.s32 @!p1 $0x1082;
	[sflag:s4] =	ssyncset.s32 $0xFFFFF086  }
0x25: {  	[simem:s6], [sflag:s4] =	dma.local [hbm:s3], $0xF7A  }
0x26: {  	[smem:$0x3F93] =	sst s1;
	(tag) =	ssettag s2;
	_ =	strace s9  }
0x27: {  	s1 =	sld [smem:$0x3FA3]  }
0x28: {  	s2 =	sld [smem:$0x3FA4]  }
0x29: {  	s4 =	sld [smem:$0x3FA6]  }
0x2a: {  	p0 =	seq.s32 s5, $0x0;
	s5 =	sld [smem:$0x3FA7]  }
0x2b: {  	s6 =	sld [smem:$0x3FA8]  }
0x2c: {  	s7 =	sld [smem:$0x3FA9]  }
0x2d: {  	s3 =	simm.s32 $0x108;
	s8 =	sld [smem:$0x3FAA]  }
0x2e: {  	s3 =	simm.s32 @!p0 $0x1082;
	s9 =	sld [smem:$0x3FAB]  }
0x2f: {  	lr =	sadd.s32 s0, s3;
	s0 =	sld [smem:$0x3FA2]  }
0x30: {  	s3 =	sld [smem:$0x3FA5]  }
0x31: {  	[smem:$0x3FAE] =	sst s10  }
0x32: {  	s10 =	sld [smem:$0x3FAC];
	_ =	sdelay $0x3  }
0x33: {  	p0 =	seq.s32 s10, $0x1;
	s10 =	sld [smem:$0x3FAE];
	_ =	sdelay $0x3  }
0x34: {  	[smem:$0x3FAE] =	sst s10  }
0x35: {  	s10 =	sld [smem:$0x3FAD];
	_ =	sdelay $0x3  }
0x36: {  	p1 =	seq.s32 s10, $0x1;
	s10 =	sld [smem:$0x3FAE];
	_ =	sdelay $0x3  }
0x37: {  	[smem:$0x3FAE] =	sst s10  }
0x38: {  	s10 =	sld [smem:$0x3FAF]  }
0x39: {  	_ = 	snop;
	(pc) =	sbr.ind lr, $3  }
0x3a: {  	_ = 	snop  }
0x3b: {  	_ = 	snop  }
0x3c: {  	p2 =	seq.s32 s10, $0x1;
	s10 =	sld [smem:$0x3FAE]  }
0x3d: {  	_ =	shalt  }
0x3e: {  	_ =	shalt  }
0x3f: {  	_ =	shalt  }
0x40: {  	_ =	shalt  }
0x41: {  	_ =	shalt  }
0x42: {  	_ =	shalt  }
0x43: {  	_ =	shalt  }
0x44: {  	_ =	shalt  }
0x45: {  	_ =	shalt  }
0x46: {  	_ =	shalt  }
0x47: {  	_ =	shalt  }
0x48: {  	_ =	shalt  }
0x49: {  	_ =	shalt  }
0x4a: {  	_ =	shalt  }
0x4b: {  	_ =	shalt  }
0x4c: {  	_ =	shalt  }
0x4d: {  	_ =	shalt  }
0x4e: {  	_ =	shalt  }
0x4f: {  	_ =	shalt  }
0x50: {  	_ =	shalt  }
0x51: {  	_ =	shalt  }
0x52: {  	_ =	shalt  }
0x53: {  	_ =	shalt  }
0x54: {  	_ =	shalt  }
0x55: {  	_ =	shalt  }
0x56: {  	_ =	shalt  }
0x57: {  	_ =	shalt  }
0x58: {  	_ =	shalt  }
0x59: {  	_ =	shalt  }
0x5a: {  	_ =	shalt  }
0x5b: {  	_ =	shalt  }
0x5c: {  	_ =	shalt  }
0x5d: {  	_ =	shalt  }
0x5e: {  	_ =	shalt  }
0x5f: {  	_ =	shalt  }
0x60: {  	_ =	shalt  }
0x61: {  	_ =	shalt  }
0x62: {  	_ =	shalt  }
0x63: {  	_ =	shalt  }
0x64: {  	_ =	shalt  }
0x65: {  	_ =	shalt  }
0x66: {  	_ =	shalt  }
0x67: {  	_ =	shalt  }
0x68: {  	_ =	shalt  }
0x69: {  	_ =	shalt  }
0x6a: {  	_ =	shalt  }
0x6b: {  	_ =	shalt  }
0x6c: {  	_ =	shalt  }
0x6d: {  	_ =	shalt  }
0x6e: {  	_ =	shalt  }
0x6f: {  	_ =	shalt  }
0x70: {  	_ =	shalt  }
0x71: {  	_ =	shalt  }
0x72: {  	_ =	shalt  }
0x73: {  	_ =	shalt  }
0x74: {  	_ =	shalt  }
0x75: {  	_ =	shalt  }
0x76: {  	_ =	shalt  }
0x77: {  	_ =	shalt  }
0x78: {  	_ =	shalt  }
0x79: {  	_ =	shalt  }
0x7a: {  	_ =	shalt  }
0x7b: {  	_ =	shalt  }
0x7c: {  	_ =	shalt  }
0x7d: {  	_ =	shalt  }
0x7e: {  	_ =	shalt  }
0x7f: {  	_ =	shalt  }
0x80: {  	_ =	shalt  }
0x81: {  	_ =	shalt  }
0x82: {  	_ =	shalt  }
0x83: {  	_ =	shalt  }
0x84: {  	_ =	shalt  }
0x85: {  	_ =	shalt  }
0x86: {  	_ =	shalt  }
0x87: {  	_ =	shalt  }
.Lfunc_end0:
.L_simem_size_0:
called_computation_lowered:
.L_overlay_start_0:
0x88: {  	s2 =	sld [smem:$0x3FD9]  }
0x89: {  	s3 =	sld [smem:$0x3FFE];
	_ =	sdelay $0x1  }
0x8a: {  	s1 =	srdreg.scid  }
0x8b: {  	s0 =	sand.u32 $0x1, s1  }
0x8c: {  	s17 =	sshll.u32 s0, $0xA;
	s2 =	sadd.s32 s3, s2  }
0x8d: {  	s2 =	sadd.s32 s2, s17  }
0x8e: {  	[smem:$0x3FBA] =	sst s2  }
0x8f: {  	_ = 	snop  }
0x90: {  	s2 =	sld [smem:$0x3FC8]  }
0x91: {  	s18 =	sld [smem:$0x3FD0];
	(tm) =	ssettm $0x1  }
0x92: {  	s4 =	sld [smem:$0x3FFB];
	_ =	sdelay $0x3  }
0x93: {  	_ =	strace s4  }
0x94: {  	s4 =	sld [smem:$0x3FFC];
	_ =	sdelay $0x3  }
0x95: {  	_ =	strace s4  }
0x96: {  	s4 =	sld [smem:$0x3FFD];
	_ =	sdelay $0x3  }
0x97: {  	_ =	strace s4  }
0x98: {  	_ =	strace $0x8FFFFFFF  }
0x99: {  	s19 =	sld [smem:$0x3FDB];
	_ =	sdelay $0x1  }
0x9a: {  	s5 =	simm.s32 $_scs_section_size  }
0x9b: {  	s6 =	simm.s32 $_size__tile_overlayer_lowered;
	s7 =	simm.s32 $_tile_overlayer_lowered  }
0x9c: {  	s22 =	simm.s32 $0x1BFF;
	s21 =	sshll.u32 s7, $0x1;
	s4 =	sadd.s32 s5, s19  }
0x9d: {  	s8 =	simm.s32 $0x0;
	s20 =	sshll.u32 s6, $0x1;
	s6 =	sadd.s32 s21, s4  }
0x9e: {  	[timem:s8], [sflag:s22] =	dma.local [hbm:s6], s20  }
0x9f: {  	_ =	swait.ge [sflag:s22], s20  }
0xa0: {  	s5 =	ssub.s32 $0x0, s20;
	[sflag:s22] =	ssyncset.done $0x0  }
0xa1: {  	[sflag:s22] =	ssyncadd.s32 s5;
	_ =	sdelay $0x1  }
0xa2: {  	s23 =	simm.s32 $0x1B8B  }
0xa3: {  	_ =	swait.ge [sflag:s23], $0x1  }
0xa4: {  	[sflag:s23] =	ssyncset.done $0x0  }
0xa5: {  	s25 =	simm.s32 $0x1B8E;
	s24 =	sld [smem:$0x3FFE];
	[sflag:s23] =	ssyncadd.s32 $0xFFFFFFFF  }
0xa6: {  	s26 =	simm.s32 $execute0_lowered;
	[smem:$0x3FD2] =	sst s25  }
0xa7: {  	s6 =	sshll.u32 s26, $0x1;
	_ =	strace $0x80000046;
	[dreg:$0x1] =	wrdreg $0xFFFFFFFF  }
0xa8: {  	s28 =	simm.s32 $_size_execute0_lowered;
	s4 =	sadd.s32 s4, s6;
	[dreg:$0x0] =	wrdreg $0x0  }
0xa9: {  	s6 =	sshll.u32 s28, $0x1;
	[dreg:$0x2] =	wrdreg s4  }
0xaa: {  	[dreg:$0x3] =	wrdreg s6  }
0xab: {  	[dreg:$0x4] =	wrdreg $0xC0  }
0xac: {  	_ =	task [dreg:s8], $0x5FFFF  }
0xad: {  	[dreg:$0x1] =	wrdreg $0xFFFFFFFF  }
0xae: {  	[dreg:$0x0] =	wrdreg $0x60  }
0xaf: {  	[dreg:$0x2] =	wrdreg s2  }
0xb0: {  	[dreg:$0x3] =	wrdreg s24  }
0xb1: {  	[dreg:$0x4] =	wrdreg s18  }
0xb2: {  	[dreg:$0x5] =	wrdreg $0x9  }
0xb3: {  	_ =	task.clear_ibuf [dreg:s8], $0x6FFFF;
	_ =	strace $0x90000046  }
0xb4: {  	s29 =	simm.s32 $0x9;
	_ =	strace $0x80000048  }
0xb5: {  	_ =	swait.ge [sflag:s29], $0x1  }
0xb6: {  	[sflag:s29] =	ssyncadd.s32 $0xFFFFFFFF  }
0xb7: {  	_ =	strace $0x90000048  }
0xb8: {  	_ =	sfence  }
0xb9: {  	s30 =	sld [smem:$0x0];
	_ =	sdelay $0x2  }
0xba: {  	s31 =	sshll.u32 s1, $0xD;
	s1 =	sshrl.u32 s1, $0x2  }
0xbb: {  	s3 =	sand.u32 $0x4000, s31;
	s1 =	sadd.s32 s1, s30  }
0xbc: {  	s0 =	sor.u32 s3, s0;
	s1 =	sshll.u32 s1, $0x11  }
0xbd: {  	s0 =	sor.u32 s1, s0  }
0xbe: {  	s0 =	sadd.s32 $0x8F2B, s0  }
0xbf: {  	[sflag:s0] =	ssyncadd.remote.s32 $0x1  }
0xc0: {  	_ =	sfence.sel $0xFFFF  }
0xc1: {  	[dreg:$0x0] =	wrdreg $0xFFFFFFFF;
	(pc) =	sbr.abs _section_cstart, $3  }
0xc2: {  	[dreg:$0x1] =	wrdreg $0xFFFFFFFF  }
0xc3: {  	_ =	task.clear_ibuf [dreg:s8], $0x2FFFF;
	_ =	strace $0x9FFFFFFF  }
0xc4: {  	(tm) =	ssettm $0x7FFFFFFF  }
0xc5: {  	_ =	shalt  }
tec
execute0_lowered:
.L_overlay_start_1:
0x0: {  	(tag) =	ssettag $0x1  }
0x1: {  	s3 =	srdreg.scid  }
0x2: {  	s1 =	simm.s32 $0x0;
	s7 =	sand.u32 $0x1, s3  }
0x3: {  	[smem:$0x7FF] =	sst s1;
	s1 =	stileid.u32;
	s30 =	ssub.s32 $0x2, s7  }
0x4: {  	s5 =	rddreg [dreg:$0x1];
	s6 =	sshll.u32 s1, $0xB;
	s9 =	sshrl.u32 s30, $0x1  }
0x5: {  	s8 =	sadd.s32 s6, s5;
	s6 =	ssub.s32 s30, s9  }
0x6: {  	s2 =	rddreg [dreg:$0x0];
	s6 =	smax.u32 s6, $0x1  }
0x7: {  	s4 =	rddreg [dreg:$0x2];
	s20 =	sadd.s32 $0xFFFFFFFF, s6  }
0x8: {  	s0 =	rddreg [dreg:$0x3];
	s3 =	sadd.s32 $0x1E00, s5;
	p3 =	sne.s32 s20, $0x0  }
.Ltmp0:
0x9: {  	_ =	strace $0x80000047;
	p1 =	seq.s32 s7, $0x0;
	(pc) =	sbr.rel @!p3 .LBB2_3-.Ltmp0, $4  }
0xa: {  	p0 =	slt.u32 s1, $0x3;
	p2 =	seq.s32 s1, $0x3;
	s31 =	sshll.u32 s1, $0x8  }
0xb: {  	s7 =	sadd.s32 $0xD400, s5;
	p0 =	por !p1, !p0;
	p1 =	por !p1, !p2  }
0xc: {  	p2 =	por $0x0, $0x0;
	p0 =	por !p0, !p0;
	p1 =	por !p1, !p1  }
0xd: {  	s5 =	sadd.s32 $0xBC00, s8;
	p1 =	por !p1, p0;
	s6 =	sadd.s32 $0x100, s31  }
0xe: {  	s8 =	simm.s32 @!p1 $0x0;
	s9 =	simm.s32 @!p1 $0x2  }
0xf: {  	[tilespmem:s8], [sflag:$0x2] =	stream.linear.gather @!p1 [hbm4b:s4+s8], $0x80, $0x38;
	[tilespmem:$0x5100] =	vst v63  }
0x10: {  	_ =	swait.ge @!p1 [sflag:s9], $0x80  }
0x11: {  	s10 =	simm.s32 @!p1 $0x1;
	[sflag:s9] =	ssyncset.done @!p1 $0x0  }
0x12: {  	s11 =	simm.s32 @!p1 $0x10;
	s12 =	simm.s32 @!p1 $0x4900;
	[sflag:s9] =	ssyncadd.s32 @!p1 $0xFFFFFF80  }
0x13: {  	[tilespmem:s12], [sflag:$0x1] =	stream.indirect.gather @!p1 [hbm4b:s2+s11], $0x80, s8, s11, $0xb8;
	[tilespmem:$0x5100] =	vst v63  }
0x14: {  	_ =	swait.ge @!p1 [sflag:s10], $0x800  }
0x15: {  	[sflag:s10] =	ssyncset.done @!p1 $0x0  }
0x16: {  	[sflag:s10] =	ssyncadd.s32 @!p1 $0xFFFFF800  }
0x17: {  	[hbm4b:s7+s8] =	stream.linear.scatter @!p1 [tilespmem:s12], [sflag:$0x2], $0x800, $0x38;
	[tilespmem:$0x5100] =	vst v63  }
0x18: {  	_ =	swait.ge @!p1 [sflag:s9], $0x800  }
0x19: {  	[sflag:s9] =	ssyncset.done @!p1 $0x0  }
0x1a: {  	s14 =	simm.s32 @p0 $0x0;
	s13 =	simm.s32 @p0 $0x2;
	[sflag:s9] =	ssyncadd.s32 @!p1 $0xFFFFF800  }
0x1b: {  	[tilespmem:s14], [sflag:$0x2] =	stream.linear.gather @p0 [hbm4b:s4+s14], $0x80, $0x38;
	[tilespmem:$0x5100] =	vst v63  }
0x1c: {  	_ =	swait.ge @p0 [sflag:s13], $0x80  }
0x1d: {  	[sflag:s13] =	ssyncset.done @p0 $0x0  }
0x1e: {  	[sflag:s13] =	ssyncadd.s32 @p0 $0xFFFFFF80  }
0x1f: {  	v0 =	vld @p0 [tilespmem:$0x0];
	_ =	sdelay $0x4  }
0x20: {  	s15 =	simm.s32 @p0 $0x1;
	v0 =	vshrl.u32 @p0 v0, $0x2  }
0x21: {  	s16 =	simm.s32 @p0 $0x10;
	s17 =	simm.s32 @p0 $0x80;
	s18 =	simm.s32 @p0 $0x100;
	[tilespmem:$0x80] =	vst @p0 v0  }
0x22: {  	[tilespmem:s18], [sflag:$0x1] =	stream.indirect.gather @p0 [hbm4b:s3+s16], $0x80, s17, s16, $0xb8;
	[tilespmem:$0x5100] =	vst v63  }
0x23: {  	_ =	swait.ge @p0 [sflag:s15], $0x800  }
0x24: {  	[sflag:s15] =	ssyncset.done @p0 $0x0  }
0x25: {  	s19 =	simm.s32 @p0 $0x900;
	s20 =	sadd.s32 $0xFFFFFFFF, s20;
	[sflag:s15] =	ssyncadd.s32 @p0 $0xFFFFF800  }
0x26: {  	[tilespmem:s19], [sflag:$0x1] =	stream.indirect.gather @p0 [hbm4b:s2+s17], $0x80, s6, s17, $0xb8;
	[tilespmem:$0x5100] =	vst v63  }
0x27: {  	p3 =	sne.s32 s20, $0x0;
	_ =	swait.ge @p0 [sflag:s15], $0x4000  }
.Ltmp1:
0x28: {  	[sflag:s15] =	ssyncset.done @p0 $0x0;
	(pc) =	sbr.rel @!p3 .LBB2_3-.Ltmp1, $4  }
0x29: {  	[sflag:s15] =	ssyncadd.s32 @p0 $0xFFFFC000  }
0x2a: {  	[hbm4b:s5+s14] =	stream.linear.scatter @p0 [tilespmem:s19], [sflag:$0x2], $0x4000, $0x38;
	[tilespmem:$0x5100] =	vst v63  }
0x2b: {  	_ =	swait.ge @p0 [sflag:s13], $0x4000  }
0x2c: {  	p2 =	por $0x1, $0x1;
	[sflag:s13] =	ssyncset.done @p0 $0x0  }
.LBB2_2:
0x2d: {  	[sflag:s13] =	ssyncadd.s32 @p0 $0xFFFFC000  }
0x2e: {  	[tilespmem:s8], [sflag:$0x2] =	stream.linear.gather @!p1 [hbm4b:s4+s8], $0x80, $0x38;
	[tilespmem:$0x5100] =	vst v63  }
0x2f: {  	s20 =	sadd.s32 $0xFFFFFFFF, s20;
	_ =	swait.ge @!p1 [sflag:s9], $0x80  }
0x30: {  	p3 =	sne.s32 s20, $0x0;
	[sflag:s9] =	ssyncset.done @!p1 $0x0  }
0x31: {  	[sflag:s9] =	ssyncadd.s32 @!p1 $0xFFFFFF80  }
0x32: {  	[tilespmem:s12], [sflag:$0x1] =	stream.indirect.gather @!p1 [hbm4b:s2+s11], $0x80, s8, s11, $0xb8;
	[tilespmem:$0x5100] =	vst v63  }
0x33: {  	_ =	swait.ge @!p1 [sflag:s10], $0x800  }
0x34: {  	[sflag:s10] =	ssyncset.done @!p1 $0x0  }
0x35: {  	[sflag:s10] =	ssyncadd.s32 @!p1 $0xFFFFF800  }
0x36: {  	[hbm4b:s7+s8] =	stream.linear.scatter @!p1 [tilespmem:s12], [sflag:$0x2], $0x800, $0x38;
	[tilespmem:$0x5100] =	vst v63  }
0x37: {  	_ =	swait.ge @!p1 [sflag:s9], $0x800  }
0x38: {  	[sflag:s9] =	ssyncset.done @!p1 $0x0  }
0x39: {  	[sflag:s9] =	ssyncadd.s32 @!p1 $0xFFFFF800  }
0x3a: {  	[tilespmem:s14], [sflag:$0x2] =	stream.linear.gather @p0 [hbm4b:s4+s14], $0x80, $0x38;
	[tilespmem:$0x5100] =	vst v63  }
0x3b: {  	_ =	swait.ge @p0 [sflag:s13], $0x80  }
0x3c: {  	[sflag:s13] =	ssyncset.done @p0 $0x0  }
0x3d: {  	[sflag:s13] =	ssyncadd.s32 @p0 $0xFFFFFF80  }
0x3e: {  	v0 =	vld @p0 [tilespmem:$0x0];
	_ =	sdelay $0x4  }
0x3f: {  	v0 =	vshrl.u32 @p0 v0, $0x2  }
0x40: {  	[tilespmem:$0x80] =	vst @p0 v0  }
0x41: {  	[tilespmem:s18], [sflag:$0x1] =	stream.indirect.gather @p0 [hbm4b:s3+s16], $0x80, s17, s16, $0xb8;
	[tilespmem:$0x5100] =	vst v63  }
0x42: {  	_ =	swait.ge @p0 [sflag:s15], $0x800  }
0x43: {  	[sflag:s15] =	ssyncset.done @p0 $0x0  }
0x44: {  	[sflag:s15] =	ssyncadd.s32 @p0 $0xFFFFF800  }
0x45: {  	[tilespmem:s19], [sflag:$0x1] =	stream.indirect.gather @p0 [hbm4b:s2+s17], $0x80, s6, s17, $0xb8;
	[tilespmem:$0x5100] =	vst v63  }
0x46: {  	_ =	swait.ge @p0 [sflag:s15], $0x4000  }
.Ltmp2:
0x47: {  	[sflag:s15] =	ssyncset.done @p0 $0x0;
	(pc) =	sbr.rel @p3 .LBB2_2-.Ltmp2, $4  }
0x48: {  	[sflag:s15] =	ssyncadd.s32 @p0 $0xFFFFC000  }
0x49: {  	[hbm4b:s5+s14] =	stream.linear.scatter @p0 [tilespmem:s19], [sflag:$0x2], $0x4000, $0x38;
	[tilespmem:$0x5100] =	vst v63  }
0x4a: {  	_ =	swait.ge @p0 [sflag:s13], $0x4000  }
0x4b: {  	[sflag:s13] =	ssyncset.done @p0 $0x0  }
.LBB2_3:
0x4c: {  	p2 =	por !p0, !p2  }
0x4d: {  	s8 =	simm.s32 @!p1 $0x0;
	s9 =	simm.s32 @!p1 $0x2;
	[sflag:s13] =	ssyncadd.s32 @!p2 $0xFFFFC000  }
0x4e: {  	[tilespmem:s8], [sflag:$0x2] =	stream.linear.gather @!p1 [hbm4b:s4+s8], $0x80, $0x38;
	[tilespmem:$0x5100] =	vst v63  }
0x4f: {  	_ =	swait.ge @!p1 [sflag:s9], $0x80  }
0x50: {  	s10 =	simm.s32 @!p1 $0x1;
	[sflag:s9] =	ssyncset.done @!p1 $0x0  }
0x51: {  	s11 =	simm.s32 @!p1 $0x10;
	s12 =	simm.s32 @!p1 $0x4900;
	[sflag:s9] =	ssyncadd.s32 @!p1 $0xFFFFFF80  }
0x52: {  	[tilespmem:s12], [sflag:$0x1] =	stream.indirect.gather @!p1 [hbm4b:s2+s11], $0x80, s8, s11, $0xb8;
	[tilespmem:$0x5100] =	vst v63  }
0x53: {  	_ =	swait.ge @!p1 [sflag:s10], $0x800  }
0x54: {  	[sflag:s10] =	ssyncset.done @!p1 $0x0  }
0x55: {  	[sflag:s10] =	ssyncadd.s32 @!p1 $0xFFFFF800  }
0x56: {  	[hbm4b:s7+s8] =	stream.linear.scatter @!p1 [tilespmem:s12], [sflag:$0x2], $0x800, $0x38;
	[tilespmem:$0x5100] =	vst v63  }
0x57: {  	_ =	swait.ge @!p1 [sflag:s9], $0x800  }
0x58: {  	[sflag:s9] =	ssyncset.done @!p1 $0x0  }
0x59: {  	s7 =	simm.s32 @p0 $0x0;
	s8 =	simm.s32 @p0 $0x2;
	[sflag:s9] =	ssyncadd.s32 @!p1 $0xFFFFF800  }
0x5a: {  	[tilespmem:s7], [sflag:$0x2] =	stream.linear.gather @p0 [hbm4b:s4+s7], $0x80, $0x38;
	[tilespmem:$0x5100] =	vst v63  }
0x5b: {  	_ =	swait.ge @p0 [sflag:s8], $0x80  }
0x5c: {  	[sflag:s8] =	ssyncset.done @p0 $0x0  }
0x5d: {  	[sflag:s8] =	ssyncadd.s32 @p0 $0xFFFFFF80  }
0x5e: {  	v0 =	vld @p0 [tilespmem:$0x0];
	_ =	sdelay $0x4  }
0x5f: {  	s11 =	simm.s32 @p0 $0x100;
	v0 =	vshrl.u32 @p0 v0, $0x2  }
0x60: {  	s10 =	simm.s32 @p0 $0x80;
	s9 =	simm.s32 @p0 $0x10;
	s4 =	simm.s32 @p0 $0x1;
	[tilespmem:$0x80] =	vst @p0 v0  }
0x61: {  	[tilespmem:s11], [sflag:$0x1] =	stream.indirect.gather @p0 [hbm4b:s3+s9], $0x80, s10, s9, $0xb8;
	[tilespmem:$0x5100] =	vst v63  }
0x62: {  	_ =	swait.ge @p0 [sflag:s4], $0x800  }
0x63: {  	[sflag:s4] =	ssyncset.done @p0 $0x0  }
0x64: {  	s3 =	simm.s32 @p0 $0x900;
	[sflag:s4] =	ssyncadd.s32 @p0 $0xFFFFF800  }
0x65: {  	[tilespmem:s3], [sflag:$0x1] =	stream.indirect.gather @p0 [hbm4b:s2+s10], $0x80, s6, s10, $0xb8;
	[tilespmem:$0x5100] =	vst v63  }
0x66: {  	_ =	swait.ge @p0 [sflag:s4], $0x4000  }
0x67: {  	[sflag:s4] =	ssyncset.done @p0 $0x0  }
0x68: {  	[sflag:s4] =	ssyncadd.s32 @p0 $0xFFFFC000  }
0x69: {  	[hbm4b:s5+s7] =	stream.linear.scatter @p0 [tilespmem:s3], [sflag:$0x2], $0x4000, $0x38;
	[tilespmem:$0x5100] =	vst v63  }
0x6a: {  	_ =	swait.ge @p0 [sflag:s8], $0x4000  }
0x6b: {  	[sflag:s8] =	ssyncset.done @p0 $0x0  }
0x6c: {  	[sflag:s8] =	ssyncadd.s32 @p0 $0xFFFFC000  }
0x6d: {  	_ =	sfence.sel $0x180000  }
0x6e: {  	[bflag:$0x0] =	sbarrier.arrive $0xFFFF  }
0x6f: {  	p0 =	sne.s32 s1, $0x0;
	_ =	strace $0x90000047  }
0x70: {  	s0 =	sadd.s32 @!p0 $0x100000, s0;
	[bflag:$0x2] =	sbarrier.arrive $0xFFFF  }
0x71: {  	[sflag:s0] =	ssyncadd.tile.s32 @!p0 $0x1;
	_ =	shalt  }
.Lfunc_end2:
_tile_overlayer_lowered:
.L_overlay_start_2:
0x72: {  	(tag) =	ssettag $0x2  }
0x73: {  	s0 =	rddreg [dreg:$0x0];
	s2 =	stileid.u32  }
0x74: {  	s1 =	rddreg [dreg:$0x1];
	p0 =	sne.s32 s2, $0x0  }
0x75: {  	s3 =	rddreg [dreg:$0x2];
	[bflag:$0x3] =	sbarrier.arrive $0xFFFF;
	s2 =	simm.s32 @!p0 $0x1C02  }
0x76: {  	[timem:s3], [sflag:s2] =	dma.local @!p0 [hbm:s0], s1  }
0x77: {  	s0 =	simm.s32 @!p0 $0x2  }
0x78: {  	_ =	swait.ge @!p0 [sflag:s0], s1  }
0x79: {  	s1 =	ssub.s32 @!p0 $0x0, s1;
	[sflag:s0] =	ssyncset.done @!p0 $0x0  }
0x7a: {  	[sflag:s0] =	ssyncadd.s32 @!p0 s1  }
0x7b: {  	[bflag:$0x3] =	sbarrier.arrive $0xFFFF  }
0x7c: {  	_ =	shalt  }

</sc_bundles>
